<compile_context>
chip_gen: v7x
topology: tpu7x:2x2x1
jax: 0.10.2.dev20260603
libtpu: 0.0.44.dev20260713+nightly
codegen_flags: <defaults>
</compile_context>

<pallas_src>
import functools

import jax
import jax.numpy as jnp
from jax import lax
from jax.experimental import pallas as pl
from jax.experimental.pallas import tpu as pltpu
from jax.experimental.pallas import tpu_sc as plsc

_N_RULES = 8
_EPS_C = 0.0001

_NC = 2
_NS = 16
_NW = _NC * _NS
_CHUNK = 128


@functools.lru_cache(maxsize=2)
def _eps_const(batch: int, k: int):
    return jax.random.normal(jax.random.key(42), (batch, _N_RULES, k), jnp.float32)


@functools.lru_cache(maxsize=2)
def _gather_fn(B: int, K: int):
    ch = B // (_NW * _CHUNK)
    bpw = B // _NW
    mesh = plsc.VectorSubcoreMesh(
        core_axis_name="c", subcore_axis_name="s",
        num_cores=_NC, num_subcores=_NS)

    @functools.partial(
        pl.kernel, mesh=mesh,
        out_type=[jax.ShapeDtypeStruct((B, K), jnp.float32),
                  jax.ShapeDtypeStruct((B, K), jnp.float32)],
        scratch_types=[pltpu.VMEM((ch, _CHUNK), jnp.int32),
                       pltpu.VMEM((ch, _CHUNK), jnp.int32),
                       pltpu.VMEM((bpw, K), jnp.float32),
                       pltpu.VMEM((bpw, K), jnp.float32),
                       pltpu.SemaphoreType.DMA,
                       pltpu.SemaphoreType.DMA],
        compiler_params=pltpu.CompilerParams(use_tc_tiling_on_sc=False),
    )
    def gather(u2, i2, gu_tab, gi_tab, gu_out, gi_out,
               uidx, iidx, gu_v, gi_v, su, si):
        wid = lax.axis_index("s") * _NC + lax.axis_index("c")
        pltpu.sync_copy(u2.at[pl.ds(wid * ch, ch)], uidx)
        pltpu.sync_copy(i2.at[pl.ds(wid * ch, ch)], iidx)
        copies = []
        for c in range(ch):
            dst = pl.ds(c * _CHUNK, _CHUNK)
            copies.append(pltpu.async_copy(gu_tab.at[uidx.at[c]], gu_v.at[dst], su))
            copies.append(pltpu.async_copy(gi_tab.at[iidx.at[c]], gi_v.at[dst], si))
        for cp in copies:
            cp.wait()
        base = wid * bpw
        pltpu.sync_copy(gu_v, gu_out.at[pl.ds(base, bpw)])
        pltpu.sync_copy(gi_v, gi_out.at[pl.ds(base, bpw)])

    return gather


def _dense_body(gu_ref, gi_ref, eps_ref, gr_ref, lv_ref, xui_ref):
    gu = gu_ref[...]
    gi = gi_ref[...]
    gr = gr_ref[...]
    w = jnp.exp(0.5 * gr)
    scores = lax.dot_general(gu, w, (((1,), (1,)), ((), ())),
                             preferred_element_type=jnp.float32)
    m = jnp.max(scores, axis=1, keepdims=True)
    ex = jnp.exp(scores - m)
    s = ex / jnp.sum(ex, axis=1, keepdims=True)
    lv = s[:, :, None] * gr[None, :, :]
    lv_ref[...] = lv
    e = gu[:, None, :] + eps_ref[...] * jnp.exp(0.5 * lv)
    ands = jnp.sum(e * gi[:, None, :], axis=2)
    p = 1.0 - jax.nn.sigmoid(ands) + _EPS_C
    xui_ref[...] = 1.0 - jnp.exp(jnp.sum(jnp.log(p), axis=1))


@functools.lru_cache(maxsize=2)
def _dense_fn(B: int, K: int, blk: int, interpret: bool = False):
    grid = (B // blk,)
    return pl.pallas_call(
        _dense_body,
        grid=grid,
        in_specs=[
            pl.BlockSpec((blk, K), lambda i: (i, 0)),
            pl.BlockSpec((blk, K), lambda i: (i, 0)),
            pl.BlockSpec((blk, _N_RULES, K), lambda i: (i, 0, 0)),
            pl.BlockSpec((_N_RULES, K), lambda i: (0, 0)),
        ],
        out_specs=[
            pl.BlockSpec((blk, _N_RULES, K), lambda i: (i, 0, 0)),
            pl.BlockSpec((blk,), lambda i: (i,)),
        ],
        out_shape=[
            jax.ShapeDtypeStruct((B, _N_RULES, K), jnp.float32),
            jax.ShapeDtypeStruct((B,), jnp.float32),
        ],
        interpret=interpret,
    )


def kernel(users, items, Gu_mean, Gr, Gi):
    B = users.shape[0]
    K = Gu_mean.shape[1]
    u2 = users.astype(jnp.int32).reshape(-1, _CHUNK)
    i2 = items.astype(jnp.int32).reshape(-1, _CHUNK)
    gu, gi = _gather_fn(B, K)(u2, i2, Gu_mean, Gi)
    eps = _eps_const(B, K)
    lv, xui = _dense_fn(B, K, 512)(gu, gi, eps, Gr)
    return xui, gu, lv

# --- scband reference (transcript-rebuilt; emitter-appended) ---
"""Pipeline reference for scband-rbrsintmodel-17205638988364 (READ-ONLY COPY).

The authoritative reference and input builder live on the scoring server;
editing this copy changes nothing except your own understanding.
"""

import jax, jax.numpy as jnp
import numpy as np

NUM_USERS = 1000000
NUM_ITEMS = 1000000
EMBED_K = 64
N_RULES = 8
EPS_CONST = 0.0001
BATCH = 16384


def _xavier_uniform(key, shape):
    fan_in, fan_out = shape[1], shape[0]
    limit = float(np.sqrt(6.0 / (fan_in + fan_out)))
    return jax.random.uniform(key, shape, dtype=jnp.float32, minval=-limit, maxval=limit)


def setup_inputs(seed: int = 0) -> dict:
    key = jax.random.key(seed)
    k1, k2, k3, k4, k5 = jax.random.split(key, 5)
    users = jax.random.randint(k1, (BATCH,), 0, NUM_USERS, dtype=jnp.int64 if jax.config.jax_enable_x64 else jnp.int32)
    items = jax.random.randint(k2, (BATCH,), 0, NUM_ITEMS, dtype=jnp.int64 if jax.config.jax_enable_x64 else jnp.int32)
    Gu_mean = _xavier_uniform(k3, (NUM_USERS, EMBED_K))
    Gr = _xavier_uniform(k4, (N_RULES, EMBED_K))
    Gi = _xavier_uniform(k5, (NUM_ITEMS, EMBED_K))
    return {"users": users, "items": items, "Gu_mean": Gu_mean, "Gr": Gr, "Gi": Gi}


def reference(users, items, Gu_mean, Gr, Gi):
    batch_size = users.shape[0]
    # embedding gathers (SparseCore-friendly)
    gu_mean = jnp.take(Gu_mean, users, axis=0)              # [B, K]
    scores = jnp.matmul(gu_mean, jnp.exp(0.5 * Gr).T)       # [B, R]
    s_jk = jax.nn.softmax(scores, axis=1)                   # [B, R]
    gu_mean_expanded = jnp.broadcast_to(gu_mean[:, None, :], (batch_size, N_RULES, EMBED_K))
    gr_expanded = jnp.broadcast_to(Gr[None, :, :], (batch_size, N_RULES, EMBED_K))
    gu_logvar = s_jk[:, :, None] * gr_expanded              # [B, R, K]
    # reparameterization trick with fixed key for determinism
    std = jnp.exp(0.5 * gu_logvar)
    eps = jax.random.normal(jax.random.key(42), std.shape, dtype=std.dtype)
    e_ujk = gu_mean_expanded + eps * std                    # [B, R, K]
    gamma_i = jnp.take(Gi, items, axis=0)                   # [B, K]
    and_scores = jnp.sum(e_ujk * gamma_i[:, None, :], axis=2)  # [B, R]
    and_scores_tensor = jax.nn.sigmoid(and_scores)
    xui = 1.0 - jnp.prod(1.0 - and_scores_tensor + EPS_CONST, axis=1)  # [B]
    return (xui, gu_mean, gu_logvar)

if __name__ == "__main__":
    import jax
    _d = setup_inputs()
    print(jax.jit(kernel)(*tuple(_d.values())))

</pallas_src>

<mosaic_0001>
#map = affine_map<(d0, d1) -> (0, 0)>
module attributes {stable_mosaic.version = 14 : i64} {
  func.func @gather(%arg0: i32, %arg1: i32, %arg2: memref<128x128xi32, #tpu.memory_space<hbm>>, %arg3: memref<128x128xi32, #tpu.memory_space<hbm>>, %arg4: memref<1000000x64xf32, #tpu.memory_space<hbm>>, %arg5: memref<1000000x64xf32, #tpu.memory_space<hbm>>, %arg6: memref<16384x64xf32, #tpu.memory_space<hbm>>, %arg7: memref<16384x64xf32, #tpu.memory_space<hbm>>, %arg8: memref<4x128xi32, #tpu.memory_space<vmem>>, %arg9: memref<4x128xi32, #tpu.memory_space<vmem>>, %arg10: memref<512x64xf32, #tpu.memory_space<vmem>>, %arg11: memref<512x64xf32, #tpu.memory_space<vmem>>, %arg12: memref<!tpu.dma_semaphore, #tpu.memory_space<semaphore_mem>>, %arg13: memref<!tpu.dma_semaphore, #tpu.memory_space<semaphore_mem>>) attributes {dimension_semantics = [#tpu.dimension_semantics<core_parallel>, #tpu.dimension_semantics<subcore_parallel>], iteration_bounds = array<i64: 2, 16>, scalar_prefetch = 0 : i64, scratch_operands = 6 : i64, tpu.core_type = #tpu.core_type<sc_vector_subcore>, window_params = [{transform_indices = #map}, {transform_indices = #map}, {transform_indices = #map}, {transform_indices = #map}, {transform_indices = #map}, {transform_indices = #map}]} {
    %mul3A = arith.constant 2 : i32
    %mul3A_0 = arith.muli %arg1, %mul3A : i32
    %add3A = arith.addi %mul3A_0, %arg0 : i32
    %mul3A_1 = arith.constant 4 : i32
    %mul3A_2 = arith.muli %add3A, %mul3A_1 : i32
    "tpu.region"() ({
      %run_scoped3A = tpu.sem_alloc : memref<!tpu.dma_semaphore, #tpu.memory_space<semaphore_mem>>
      %dma_start3A_165 = arith.constant 0 : i32
      %dma_start3A_166 = tpu.memref_slice %arg2[%mul3A_2, %dma_start3A_165] : memref<128x128xi32, #tpu.memory_space<hbm>> -> memref<4x128xi32, #tpu.memory_space<hbm>>
      %dma_start3A_167 = arith.constant 0 : i32
      %dma_start3A_168 = tpu.memref_slice %arg2[%mul3A_2, %dma_start3A_167] : memref<128x128xi32, #tpu.memory_space<hbm>> -> memref<4x128xi32, #tpu.memory_space<hbm>>
      tpu.enqueue_dma source(%dma_start3A_168 : memref<4x128xi32, #tpu.memory_space<hbm>>) target(%arg8 : memref<4x128xi32, #tpu.memory_space<vmem>>) target_semaphore(%run_scoped3A : memref<!tpu.dma_semaphore, #tpu.memory_space<semaphore_mem>>)
      %dma_wait3A_169 = arith.constant 0 : i32
      %dma_wait3A_170 = tpu.memref_slice %arg2[%mul3A_2, %dma_wait3A_169] : memref<128x128xi32, #tpu.memory_space<hbm>> -> memref<4x128xi32, #tpu.memory_space<hbm>>
      %dma_wait3A_171 = arith.constant 0 : i32
      %dma_wait3A_172 = tpu.memref_slice %arg2[%mul3A_2, %dma_wait3A_171] : memref<128x128xi32, #tpu.memory_space<hbm>> -> memref<4x128xi32, #tpu.memory_space<hbm>>
      tpu.wait_dma2 semaphore(%run_scoped3A : memref<!tpu.dma_semaphore, #tpu.memory_space<semaphore_mem>>) src(%dma_wait3A_172 : memref<4x128xi32, #tpu.memory_space<hbm>>) dst(%arg8 : memref<4x128xi32, #tpu.memory_space<vmem>>)
      tpu.yield
    }) : () -> ()
    %mul3A_3 = arith.constant 4 : i32
    %mul3A_4 = arith.muli %add3A, %mul3A_3 : i32
    "tpu.region"() ({
      %run_scoped3A = tpu.sem_alloc : memref<!tpu.dma_semaphore, #tpu.memory_space<semaphore_mem>>
      %dma_start3A_165 = arith.constant 0 : i32
      %dma_start3A_166 = tpu.memref_slice %arg3[%mul3A_4, %dma_start3A_165] : memref<128x128xi32, #tpu.memory_space<hbm>> -> memref<4x128xi32, #tpu.memory_space<hbm>>
      %dma_start3A_167 = arith.constant 0 : i32
      %dma_start3A_168 = tpu.memref_slice %arg3[%mul3A_4, %dma_start3A_167] : memref<128x128xi32, #tpu.memory_space<hbm>> -> memref<4x128xi32, #tpu.memory_space<hbm>>
      tpu.enqueue_dma source(%dma_start3A_168 : memref<4x128xi32, #tpu.memory_space<hbm>>) target(%arg9 : memref<4x128xi32, #tpu.memory_space<vmem>>) target_semaphore(%run_scoped3A : memref<!tpu.dma_semaphore, #tpu.memory_space<semaphore_mem>>)
      %dma_wait3A_169 = arith.constant 0 : i32
      %dma_wait3A_170 = tpu.memref_slice %arg3[%mul3A_4, %dma_wait3A_169] : memref<128x128xi32, #tpu.memory_space<hbm>> -> memref<4x128xi32, #tpu.memory_space<hbm>>
      %dma_wait3A_171 = arith.constant 0 : i32
      %dma_wait3A_172 = tpu.memref_slice %arg3[%mul3A_4, %dma_wait3A_171] : memref<128x128xi32, #tpu.memory_space<hbm>> -> memref<4x128xi32, #tpu.memory_space<hbm>>
      tpu.wait_dma2 semaphore(%run_scoped3A : memref<!tpu.dma_semaphore, #tpu.memory_space<semaphore_mem>>) src(%dma_wait3A_172 : memref<4x128xi32, #tpu.memory_space<hbm>>) dst(%arg9 : memref<4x128xi32, #tpu.memory_space<vmem>>)
      tpu.yield
    }) : () -> ()
    %dma_start3A = arith.constant 0 : i32
    %dma_start3A_5 = arith.constant 0 : i32
    %dma_start3A_6 = arith.constant 0 : i32
    %dma_start3A_7 = tpu.memref_slice %arg10[%dma_start3A_5, %dma_start3A_6] : memref<512x64xf32, #tpu.memory_space<vmem>> -> memref<128x64xf32, #tpu.memory_space<vmem>>
    %dma_start3A_8 = arith.constant 0 : i32
    %dma_start3A_9 = tpu.memref_slice %arg8[%dma_start3A, %dma_start3A_8] : memref<4x128xi32, #tpu.memory_space<vmem>> -> memref<1x128xi32, #tpu.memory_space<vmem>>
    %dma_start3A_10 = tpu.memref_squeeze %dma_start3A_9 : memref<1x128xi32, #tpu.memory_space<vmem>> -> memref<128xi32, #tpu.memory_space<vmem>>
    %dma_start3A_11 = arith.constant 0 : i32
    %dma_start3A_12 = arith.constant 0 : i32
    %dma_start3A_13 = tpu.memref_slice %arg4[%dma_start3A_11, %dma_start3A_12] : memref<1000000x64xf32, #tpu.memory_space<hbm>> -> memref<1000000x64xf32, #tpu.memory_space<hbm>>
    tpu.enqueue_indirect_dma source(%dma_start3A_13 : memref<1000000x64xf32, #tpu.memory_space<hbm>>) target(%dma_start3A_7 : memref<128x64xf32, #tpu.memory_space<vmem>>) offsets(%dma_start3A_10 : memref<128xi32, #tpu.memory_space<vmem>>) semaphore(%arg12 : memref<!tpu.dma_semaphore, #tpu.memory_space<semaphore_mem>>)
    %dma_start3A_14 = arith.constant 0 : i32
    %dma_start3A_15 = arith.constant 0 : i32
    %dma_start3A_16 = arith.constant 0 : i32
    %dma_start3A_17 = tpu.memref_slice %arg11[%dma_start3A_15, %dma_start3A_16] : memref<512x64xf32, #tpu.memory_space<vmem>> -> memref<128x64xf32, #tpu.memory_space<vmem>>
    %dma_start3A_18 = arith.constant 0 : i32
    %dma_start3A_19 = tpu.memref_slice %arg9[%dma_start3A_14, %dma_start3A_18] : memref<4x128xi32, #tpu.memory_space<vmem>> -> memref<1x128xi32, #tpu.memory_space<vmem>>
    %dma_start3A_20 = tpu.memref_squeeze %dma_start3A_19 : memref<1x128xi32, #tpu.memory_space<vmem>> -> memref<128xi32, #tpu.memory_space<vmem>>
    %dma_start3A_21 = arith.constant 0 : i32
    %dma_start3A_22 = arith.constant 0 : i32
    %dma_start3A_23 = tpu.memref_slice %arg5[%dma_start3A_21, %dma_start3A_22] : memref<1000000x64xf32, #tpu.memory_space<hbm>> -> memref<1000000x64xf32, #tpu.memory_space<hbm>>
    tpu.enqueue_indirect_dma source(%dma_start3A_23 : memref<1000000x64xf32, #tpu.memory_space<hbm>>) target(%dma_start3A_17 : memref<128x64xf32, #tpu.memory_space<vmem>>) offsets(%dma_start3A_20 : memref<128xi32, #tpu.memory_space<vmem>>) semaphore(%arg13 : memref<!tpu.dma_semaphore, #tpu.memory_space<semaphore_mem>>)
    %dma_start3A_24 = arith.constant 1 : i32
    %dma_start3A_25 = arith.constant 128 : i32
    %dma_start3A_26 = arith.constant 0 : i32
    %dma_start3A_27 = tpu.memref_slice %arg10[%dma_start3A_25, %dma_start3A_26] : memref<512x64xf32, #tpu.memory_space<vmem>> -> memref<128x64xf32, #tpu.memory_space<vmem>>
    %dma_start3A_28 = arith.constant 0 : i32
    %dma_start3A_29 = tpu.memref_slice %arg8[%dma_start3A_24, %dma_start3A_28] : memref<4x128xi32, #tpu.memory_space<vmem>> -> memref<1x128xi32, #tpu.memory_space<vmem>>
    %dma_start3A_30 = tpu.memref_squeeze %dma_start3A_29 : memref<1x128xi32, #tpu.memory_space<vmem>> -> memref<128xi32, #tpu.memory_space<vmem>>
    %dma_start3A_31 = arith.constant 0 : i32
    %dma_start3A_32 = arith.constant 0 : i32
    %dma_start3A_33 = tpu.memref_slice %arg4[%dma_start3A_31, %dma_start3A_32] : memref<1000000x64xf32, #tpu.memory_space<hbm>> -> memref<1000000x64xf32, #tpu.memory_space<hbm>>
    tpu.enqueue_indirect_dma source(%dma_start3A_33 : memref<1000000x64xf32, #tpu.memory_space<hbm>>) target(%dma_start3A_27 : memref<128x64xf32, #tpu.memory_space<vmem>>) offsets(%dma_start3A_30 : memref<128xi32, #tpu.memory_space<vmem>>) semaphore(%arg12 : memref<!tpu.dma_semaphore, #tpu.memory_space<semaphore_mem>>)
    %dma_start3A_34 = arith.constant 1 : i32
    %dma_start3A_35 = arith.constant 128 : i32
    %dma_start3A_36 = arith.constant 0 : i32
    %dma_start3A_37 = tpu.memref_slice %arg11[%dma_start3A_35, %dma_start3A_36] : memref<512x64xf32, #tpu.memory_space<vmem>> -> memref<128x64xf32, #tpu.memory_space<vmem>>
    %dma_start3A_38 = arith.constant 0 : i32
    %dma_start3A_39 = tpu.memref_slice %arg9[%dma_start3A_34, %dma_start3A_38] : memref<4x128xi32, #tpu.memory_space<vmem>> -> memref<1x128xi32, #tpu.memory_space<vmem>>
    %dma_start3A_40 = tpu.memref_squeeze %dma_start3A_39 : memref<1x128xi32, #tpu.memory_space<vmem>> -> memref<128xi32, #tpu.memory_space<vmem>>
    %dma_start3A_41 = arith.constant 0 : i32
    %dma_start3A_42 = arith.constant 0 : i32
    %dma_start3A_43 = tpu.memref_slice %arg5[%dma_start3A_41, %dma_start3A_42] : memref<1000000x64xf32, #tpu.memory_space<hbm>> -> memref<1000000x64xf32, #tpu.memory_space<hbm>>
    tpu.enqueue_indirect_dma source(%dma_start3A_43 : memref<1000000x64xf32, #tpu.memory_space<hbm>>) target(%dma_start3A_37 : memref<128x64xf32, #tpu.memory_space<vmem>>) offsets(%dma_start3A_40 : memref<128xi32, #tpu.memory_space<vmem>>) semaphore(%arg13 : memref<!tpu.dma_semaphore, #tpu.memory_space<semaphore_mem>>)
    %dma_start3A_44 = arith.constant 2 : i32
    %dma_start3A_45 = arith.constant 256 : i32
    %dma_start3A_46 = arith.constant 0 : i32
    %dma_start3A_47 = tpu.memref_slice %arg10[%dma_start3A_45, %dma_start3A_46] : memref<512x64xf32, #tpu.memory_space<vmem>> -> memref<128x64xf32, #tpu.memory_space<vmem>>
    %dma_start3A_48 = arith.constant 0 : i32
    %dma_start3A_49 = tpu.memref_slice %arg8[%dma_start3A_44, %dma_start3A_48] : memref<4x128xi32, #tpu.memory_space<vmem>> -> memref<1x128xi32, #tpu.memory_space<vmem>>
    %dma_start3A_50 = tpu.memref_squeeze %dma_start3A_49 : memref<1x128xi32, #tpu.memory_space<vmem>> -> memref<128xi32, #tpu.memory_space<vmem>>
    %dma_start3A_51 = arith.constant 0 : i32
    %dma_start3A_52 = arith.constant 0 : i32
    %dma_start3A_53 = tpu.memref_slice %arg4[%dma_start3A_51, %dma_start3A_52] : memref<1000000x64xf32, #tpu.memory_space<hbm>> -> memref<1000000x64xf32, #tpu.memory_space<hbm>>
    tpu.enqueue_indirect_dma source(%dma_start3A_53 : memref<1000000x64xf32, #tpu.memory_space<hbm>>) target(%dma_start3A_47 : memref<128x64xf32, #tpu.memory_space<vmem>>) offsets(%dma_start3A_50 : memref<128xi32, #tpu.memory_space<vmem>>) semaphore(%arg12 : memref<!tpu.dma_semaphore, #tpu.memory_space<semaphore_mem>>)
    %dma_start3A_54 = arith.constant 2 : i32
    %dma_start3A_55 = arith.constant 256 : i32
    %dma_start3A_56 = arith.constant 0 : i32
    %dma_start3A_57 = tpu.memref_slice %arg11[%dma_start3A_55, %dma_start3A_56] : memref<512x64xf32, #tpu.memory_space<vmem>> -> memref<128x64xf32, #tpu.memory_space<vmem>>
    %dma_start3A_58 = arith.constant 0 : i32
    %dma_start3A_59 = tpu.memref_slice %arg9[%dma_start3A_54, %dma_start3A_58] : memref<4x128xi32, #tpu.memory_space<vmem>> -> memref<1x128xi32, #tpu.memory_space<vmem>>
    %dma_start3A_60 = tpu.memref_squeeze %dma_start3A_59 : memref<1x128xi32, #tpu.memory_space<vmem>> -> memref<128xi32, #tpu.memory_space<vmem>>
    %dma_start3A_61 = arith.constant 0 : i32
    %dma_start3A_62 = arith.constant 0 : i32
    %dma_start3A_63 = tpu.memref_slice %arg5[%dma_start3A_61, %dma_start3A_62] : memref<1000000x64xf32, #tpu.memory_space<hbm>> -> memref<1000000x64xf32, #tpu.memory_space<hbm>>
    tpu.enqueue_indirect_dma source(%dma_start3A_63 : memref<1000000x64xf32, #tpu.memory_space<hbm>>) target(%dma_start3A_57 : memref<128x64xf32, #tpu.memory_space<vmem>>) offsets(%dma_start3A_60 : memref<128xi32, #tpu.memory_space<vmem>>) semaphore(%arg13 : memref<!tpu.dma_semaphore, #tpu.memory_space<semaphore_mem>>)
    %dma_start3A_64 = arith.constant 3 : i32
    %dma_start3A_65 = arith.constant 384 : i32
    %dma_start3A_66 = arith.constant 0 : i32
    %dma_start3A_67 = tpu.memref_slice %arg10[%dma_start3A_65, %dma_start3A_66] : memref<512x64xf32, #tpu.memory_space<vmem>> -> memref<128x64xf32, #tpu.memory_space<vmem>>
    %dma_start3A_68 = arith.constant 0 : i32
    %dma_start3A_69 = tpu.memref_slice %arg8[%dma_start3A_64, %dma_start3A_68] : memref<4x128xi32, #tpu.memory_space<vmem>> -> memref<1x128xi32, #tpu.memory_space<vmem>>
    %dma_start3A_70 = tpu.memref_squeeze %dma_start3A_69 : memref<1x128xi32, #tpu.memory_space<vmem>> -> memref<128xi32, #tpu.memory_space<vmem>>
    %dma_start3A_71 = arith.constant 0 : i32
    %dma_start3A_72 = arith.constant 0 : i32
    %dma_start3A_73 = tpu.memref_slice %arg4[%dma_start3A_71, %dma_start3A_72] : memref<1000000x64xf32, #tpu.memory_space<hbm>> -> memref<1000000x64xf32, #tpu.memory_space<hbm>>
    tpu.enqueue_indirect_dma source(%dma_start3A_73 : memref<1000000x64xf32, #tpu.memory_space<hbm>>) target(%dma_start3A_67 : memref<128x64xf32, #tpu.memory_space<vmem>>) offsets(%dma_start3A_70 : memref<128xi32, #tpu.memory_space<vmem>>) semaphore(%arg12 : memref<!tpu.dma_semaphore, #tpu.memory_space<semaphore_mem>>)
    %dma_start3A_74 = arith.constant 3 : i32
    %dma_start3A_75 = arith.constant 384 : i32
    %dma_start3A_76 = arith.constant 0 : i32
    %dma_start3A_77 = tpu.memref_slice %arg11[%dma_start3A_75, %dma_start3A_76] : memref<512x64xf32, #tpu.memory_space<vmem>> -> memref<128x64xf32, #tpu.memory_space<vmem>>
    %dma_start3A_78 = arith.constant 0 : i32
    %dma_start3A_79 = tpu.memref_slice %arg9[%dma_start3A_74, %dma_start3A_78] : memref<4x128xi32, #tpu.memory_space<vmem>> -> memref<1x128xi32, #tpu.memory_space<vmem>>
    %dma_start3A_80 = tpu.memref_squeeze %dma_start3A_79 : memref<1x128xi32, #tpu.memory_space<vmem>> -> memref<128xi32, #tpu.memory_space<vmem>>
    %dma_start3A_81 = arith.constant 0 : i32
    %dma_start3A_82 = arith.constant 0 : i32
    %dma_start3A_83 = tpu.memref_slice %arg5[%dma_start3A_81, %dma_start3A_82] : memref<1000000x64xf32, #tpu.memory_space<hbm>> -> memref<1000000x64xf32, #tpu.memory_space<hbm>>
    tpu.enqueue_indirect_dma source(%dma_start3A_83 : memref<1000000x64xf32, #tpu.memory_space<hbm>>) target(%dma_start3A_77 : memref<128x64xf32, #tpu.memory_space<vmem>>) offsets(%dma_start3A_80 : memref<128xi32, #tpu.memory_space<vmem>>) semaphore(%arg13 : memref<!tpu.dma_semaphore, #tpu.memory_space<semaphore_mem>>)
    %dma_wait3A = arith.constant 0 : i32
    %dma_wait3A_84 = arith.constant 0 : i32
    %dma_wait3A_85 = arith.constant 0 : i32
    %dma_wait3A_86 = tpu.memref_slice %arg10[%dma_wait3A_84, %dma_wait3A_85] : memref<512x64xf32, #tpu.memory_space<vmem>> -> memref<128x64xf32, #tpu.memory_space<vmem>>
    %dma_wait3A_87 = arith.constant 0 : i32
    %dma_wait3A_88 = tpu.memref_slice %arg8[%dma_wait3A, %dma_wait3A_87] : memref<4x128xi32, #tpu.memory_space<vmem>> -> memref<1x128xi32, #tpu.memory_space<vmem>>
    %dma_wait3A_89 = tpu.memref_squeeze %dma_wait3A_88 : memref<1x128xi32, #tpu.memory_space<vmem>> -> memref<128xi32, #tpu.memory_space<vmem>>
    %dma_wait3A_90 = arith.constant 0 : i32
    %dma_wait3A_91 = arith.constant 0 : i32
    %dma_wait3A_92 = tpu.memref_slice %arg4[%dma_wait3A_90, %dma_wait3A_91] : memref<1000000x64xf32, #tpu.memory_space<hbm>> -> memref<1000000x64xf32, #tpu.memory_space<hbm>>
    tpu.wait_indirect_dma semaphore(%arg12 : memref<!tpu.dma_semaphore, #tpu.memory_space<semaphore_mem>>) src(%dma_wait3A_92 : memref<1000000x64xf32, #tpu.memory_space<hbm>>) dst(%dma_wait3A_86 : memref<128x64xf32, #tpu.memory_space<vmem>>)
    %dma_wait3A_93 = arith.constant 0 : i32
    %dma_wait3A_94 = arith.constant 0 : i32
    %dma_wait3A_95 = arith.constant 0 : i32
    %dma_wait3A_96 = tpu.memref_slice %arg11[%dma_wait3A_94, %dma_wait3A_95] : memref<512x64xf32, #tpu.memory_space<vmem>> -> memref<128x64xf32, #tpu.memory_space<vmem>>
    %dma_wait3A_97 = arith.constant 0 : i32
    %dma_wait3A_98 = tpu.memref_slice %arg9[%dma_wait3A_93, %dma_wait3A_97] : memref<4x128xi32, #tpu.memory_space<vmem>> -> memref<1x128xi32, #tpu.memory_space<vmem>>
    %dma_wait3A_99 = tpu.memref_squeeze %dma_wait3A_98 : memref<1x128xi32, #tpu.memory_space<vmem>> -> memref<128xi32, #tpu.memory_space<vmem>>
    %dma_wait3A_100 = arith.constant 0 : i32
    %dma_wait3A_101 = arith.constant 0 : i32
    %dma_wait3A_102 = tpu.memref_slice %arg5[%dma_wait3A_100, %dma_wait3A_101] : memref<1000000x64xf32, #tpu.memory_space<hbm>> -> memref<1000000x64xf32, #tpu.memory_space<hbm>>
    tpu.wait_indirect_dma semaphore(%arg13 : memref<!tpu.dma_semaphore, #tpu.memory_space<semaphore_mem>>) src(%dma_wait3A_102 : memref<1000000x64xf32, #tpu.memory_space<hbm>>) dst(%dma_wait3A_96 : memref<128x64xf32, #tpu.memory_space<vmem>>)
    %dma_wait3A_103 = arith.constant 1 : i32
    %dma_wait3A_104 = arith.constant 128 : i32
    %dma_wait3A_105 = arith.constant 0 : i32
    %dma_wait3A_106 = tpu.memref_slice %arg10[%dma_wait3A_104, %dma_wait3A_105] : memref<512x64xf32, #tpu.memory_space<vmem>> -> memref<128x64xf32, #tpu.memory_space<vmem>>
    %dma_wait3A_107 = arith.constant 0 : i32
    %dma_wait3A_108 = tpu.memref_slice %arg8[%dma_wait3A_103, %dma_wait3A_107] : memref<4x128xi32, #tpu.memory_space<vmem>> -> memref<1x128xi32, #tpu.memory_space<vmem>>
    %dma_wait3A_109 = tpu.memref_squeeze %dma_wait3A_108 : memref<1x128xi32, #tpu.memory_space<vmem>> -> memref<128xi32, #tpu.memory_space<vmem>>
    %dma_wait3A_110 = arith.constant 0 : i32
    %dma_wait3A_111 = arith.constant 0 : i32
    %dma_wait3A_112 = tpu.memref_slice %arg4[%dma_wait3A_110, %dma_wait3A_111] : memref<1000000x64xf32, #tpu.memory_space<hbm>> -> memref<1000000x64xf32, #tpu.memory_space<hbm>>
    tpu.wait_indirect_dma semaphore(%arg12 : memref<!tpu.dma_semaphore, #tpu.memory_space<semaphore_mem>>) src(%dma_wait3A_112 : memref<1000000x64xf32, #tpu.memory_space<hbm>>) dst(%dma_wait3A_106 : memref<128x64xf32, #tpu.memory_space<vmem>>)
    %dma_wait3A_113 = arith.constant 1 : i32
    %dma_wait3A_114 = arith.constant 128 : i32
    %dma_wait3A_115 = arith.constant 0 : i32
    %dma_wait3A_116 = tpu.memref_slice %arg11[%dma_wait3A_114, %dma_wait3A_115] : memref<512x64xf32, #tpu.memory_space<vmem>> -> memref<128x64xf32, #tpu.memory_space<vmem>>
    %dma_wait3A_117 = arith.constant 0 : i32
    %dma_wait3A_118 = tpu.memref_slice %arg9[%dma_wait3A_113, %dma_wait3A_117] : memref<4x128xi32, #tpu.memory_space<vmem>> -> memref<1x128xi32, #tpu.memory_space<vmem>>
    %dma_wait3A_119 = tpu.memref_squeeze %dma_wait3A_118 : memref<1x128xi32, #tpu.memory_space<vmem>> -> memref<128xi32, #tpu.memory_space<vmem>>
    %dma_wait3A_120 = arith.constant 0 : i32
    %dma_wait3A_121 = arith.constant 0 : i32
    %dma_wait3A_122 = tpu.memref_slice %arg5[%dma_wait3A_120, %dma_wait3A_121] : memref<1000000x64xf32, #tpu.memory_space<hbm>> -> memref<1000000x64xf32, #tpu.memory_space<hbm>>
    tpu.wait_indirect_dma semaphore(%arg13 : memref<!tpu.dma_semaphore, #tpu.memory_space<semaphore_mem>>) src(%dma_wait3A_122 : memref<1000000x64xf32, #tpu.memory_space<hbm>>) dst(%dma_wait3A_116 : memref<128x64xf32, #tpu.memory_space<vmem>>)
    %dma_wait3A_123 = arith.constant 2 : i32
    %dma_wait3A_124 = arith.constant 256 : i32
    %dma_wait3A_125 = arith.constant 0 : i32
    %dma_wait3A_126 = tpu.memref_slice %arg10[%dma_wait3A_124, %dma_wait3A_125] : memref<512x64xf32, #tpu.memory_space<vmem>> -> memref<128x64xf32, #tpu.memory_space<vmem>>
    %dma_wait3A_127 = arith.constant 0 : i32
    %dma_wait3A_128 = tpu.memref_slice %arg8[%dma_wait3A_123, %dma_wait3A_127] : memref<4x128xi32, #tpu.memory_space<vmem>> -> memref<1x128xi32, #tpu.memory_space<vmem>>
    %dma_wait3A_129 = tpu.memref_squeeze %dma_wait3A_128 : memref<1x128xi32, #tpu.memory_space<vmem>> -> memref<128xi32, #tpu.memory_space<vmem>>
    %dma_wait3A_130 = arith.constant 0 : i32
    %dma_wait3A_131 = arith.constant 0 : i32
    %dma_wait3A_132 = tpu.memref_slice %arg4[%dma_wait3A_130, %dma_wait3A_131] : memref<1000000x64xf32, #tpu.memory_space<hbm>> -> memref<1000000x64xf32, #tpu.memory_space<hbm>>
    tpu.wait_indirect_dma semaphore(%arg12 : memref<!tpu.dma_semaphore, #tpu.memory_space<semaphore_mem>>) src(%dma_wait3A_132 : memref<1000000x64xf32, #tpu.memory_space<hbm>>) dst(%dma_wait3A_126 : memref<128x64xf32, #tpu.memory_space<vmem>>)
    %dma_wait3A_133 = arith.constant 2 : i32
    %dma_wait3A_134 = arith.constant 256 : i32
    %dma_wait3A_135 = arith.constant 0 : i32
    %dma_wait3A_136 = tpu.memref_slice %arg11[%dma_wait3A_134, %dma_wait3A_135] : memref<512x64xf32, #tpu.memory_space<vmem>> -> memref<128x64xf32, #tpu.memory_space<vmem>>
    %dma_wait3A_137 = arith.constant 0 : i32
    %dma_wait3A_138 = tpu.memref_slice %arg9[%dma_wait3A_133, %dma_wait3A_137] : memref<4x128xi32, #tpu.memory_space<vmem>> -> memref<1x128xi32, #tpu.memory_space<vmem>>
    %dma_wait3A_139 = tpu.memref_squeeze %dma_wait3A_138 : memref<1x128xi32, #tpu.memory_space<vmem>> -> memref<128xi32, #tpu.memory_space<vmem>>
    %dma_wait3A_140 = arith.constant 0 : i32
    %dma_wait3A_141 = arith.constant 0 : i32
    %dma_wait3A_142 = tpu.memref_slice %arg5[%dma_wait3A_140, %dma_wait3A_141] : memref<1000000x64xf32, #tpu.memory_space<hbm>> -> memref<1000000x64xf32, #tpu.memory_space<hbm>>
    tpu.wait_indirect_dma semaphore(%arg13 : memref<!tpu.dma_semaphore, #tpu.memory_space<semaphore_mem>>) src(%dma_wait3A_142 : memref<1000000x64xf32, #tpu.memory_space<hbm>>) dst(%dma_wait3A_136 : memref<128x64xf32, #tpu.memory_space<vmem>>)
    %dma_wait3A_143 = arith.constant 3 : i32
    %dma_wait3A_144 = arith.constant 384 : i32
    %dma_wait3A_145 = arith.constant 0 : i32
    %dma_wait3A_146 = tpu.memref_slice %arg10[%dma_wait3A_144, %dma_wait3A_145] : memref<512x64xf32, #tpu.memory_space<vmem>> -> memref<128x64xf32, #tpu.memory_space<vmem>>
    %dma_wait3A_147 = arith.constant 0 : i32
    %dma_wait3A_148 = tpu.memref_slice %arg8[%dma_wait3A_143, %dma_wait3A_147] : memref<4x128xi32, #tpu.memory_space<vmem>> -> memref<1x128xi32, #tpu.memory_space<vmem>>
    %dma_wait3A_149 = tpu.memref_squeeze %dma_wait3A_148 : memref<1x128xi32, #tpu.memory_space<vmem>> -> memref<128xi32, #tpu.memory_space<vmem>>
    %dma_wait3A_150 = arith.constant 0 : i32
    %dma_wait3A_151 = arith.constant 0 : i32
    %dma_wait3A_152 = tpu.memref_slice %arg4[%dma_wait3A_150, %dma_wait3A_151] : memref<1000000x64xf32, #tpu.memory_space<hbm>> -> memref<1000000x64xf32, #tpu.memory_space<hbm>>
    tpu.wait_indirect_dma semaphore(%arg12 : memref<!tpu.dma_semaphore, #tpu.memory_space<semaphore_mem>>) src(%dma_wait3A_152 : memref<1000000x64xf32, #tpu.memory_space<hbm>>) dst(%dma_wait3A_146 : memref<128x64xf32, #tpu.memory_space<vmem>>)
    %dma_wait3A_153 = arith.constant 3 : i32
    %dma_wait3A_154 = arith.constant 384 : i32
    %dma_wait3A_155 = arith.constant 0 : i32
    %dma_wait3A_156 = tpu.memref_slice %arg11[%dma_wait3A_154, %dma_wait3A_155] : memref<512x64xf32, #tpu.memory_space<vmem>> -> memref<128x64xf32, #tpu.memory_space<vmem>>
    %dma_wait3A_157 = arith.constant 0 : i32
    %dma_wait3A_158 = tpu.memref_slice %arg9[%dma_wait3A_153, %dma_wait3A_157] : memref<4x128xi32, #tpu.memory_space<vmem>> -> memref<1x128xi32, #tpu.memory_space<vmem>>
    %dma_wait3A_159 = tpu.memref_squeeze %dma_wait3A_158 : memref<1x128xi32, #tpu.memory_space<vmem>> -> memref<128xi32, #tpu.memory_space<vmem>>
    %dma_wait3A_160 = arith.constant 0 : i32
    %dma_wait3A_161 = arith.constant 0 : i32
    %dma_wait3A_162 = tpu.memref_slice %arg5[%dma_wait3A_160, %dma_wait3A_161] : memref<1000000x64xf32, #tpu.memory_space<hbm>> -> memref<1000000x64xf32, #tpu.memory_space<hbm>>
    tpu.wait_indirect_dma semaphore(%arg13 : memref<!tpu.dma_semaphore, #tpu.memory_space<semaphore_mem>>) src(%dma_wait3A_162 : memref<1000000x64xf32, #tpu.memory_space<hbm>>) dst(%dma_wait3A_156 : memref<128x64xf32, #tpu.memory_space<vmem>>)
    %mul3A_163 = arith.constant 512 : i32
    %mul3A_164 = arith.muli %add3A, %mul3A_163 : i32
    "tpu.region"() ({
      %run_scoped3A = tpu.sem_alloc : memref<!tpu.dma_semaphore, #tpu.memory_space<semaphore_mem>>
      %dma_start3A_165 = arith.constant 0 : i32
      %dma_start3A_166 = tpu.memref_slice %arg6[%mul3A_164, %dma_start3A_165] : memref<16384x64xf32, #tpu.memory_space<hbm>> -> memref<512x64xf32, #tpu.memory_space<hbm>>
      %dma_start3A_167 = arith.constant 0 : i32
      %dma_start3A_168 = tpu.memref_slice %arg6[%mul3A_164, %dma_start3A_167] : memref<16384x64xf32, #tpu.memory_space<hbm>> -> memref<512x64xf32, #tpu.memory_space<hbm>>
      tpu.enqueue_dma source(%arg10 : memref<512x64xf32, #tpu.memory_space<vmem>>) target(%dma_start3A_168 : memref<512x64xf32, #tpu.memory_space<hbm>>) target_semaphore(%run_scoped3A : memref<!tpu.dma_semaphore, #tpu.memory_space<semaphore_mem>>)
      %dma_wait3A_169 = arith.constant 0 : i32
      %dma_wait3A_170 = tpu.memref_slice %arg6[%mul3A_164, %dma_wait3A_169] : memref<16384x64xf32, #tpu.memory_space<hbm>> -> memref<512x64xf32, #tpu.memory_space<hbm>>
      %dma_wait3A_171 = arith.constant 0 : i32
      %dma_wait3A_172 = tpu.memref_slice %arg6[%mul3A_164, %dma_wait3A_171] : memref<16384x64xf32, #tpu.memory_space<hbm>> -> memref<512x64xf32, #tpu.memory_space<hbm>>
      tpu.wait_dma2 semaphore(%run_scoped3A : memref<!tpu.dma_semaphore, #tpu.memory_space<semaphore_mem>>) src(%arg10 : memref<512x64xf32, #tpu.memory_space<vmem>>) dst(%dma_wait3A_172 : memref<512x64xf32, #tpu.memory_space<hbm>>)
      tpu.yield
    }) : () -> ()
    "tpu.region"() ({
      %run_scoped3A = tpu.sem_alloc : memref<!tpu.dma_semaphore, #tpu.memory_space<semaphore_mem>>
      %dma_start3A_165 = arith.constant 0 : i32
      %dma_start3A_166 = tpu.memref_slice %arg7[%mul3A_164, %dma_start3A_165] : memref<16384x64xf32, #tpu.memory_space<hbm>> -> memref<512x64xf32, #tpu.memory_space<hbm>>
      %dma_start3A_167 = arith.constant 0 : i32
      %dma_start3A_168 = tpu.memref_slice %arg7[%mul3A_164, %dma_start3A_167] : memref<16384x64xf32, #tpu.memory_space<hbm>> -> memref<512x64xf32, #tpu.memory_space<hbm>>
      tpu.enqueue_dma source(%arg11 : memref<512x64xf32, #tpu.memory_space<vmem>>) target(%dma_start3A_168 : memref<512x64xf32, #tpu.memory_space<hbm>>) target_semaphore(%run_scoped3A : memref<!tpu.dma_semaphore, #tpu.memory_space<semaphore_mem>>)
      %dma_wait3A_169 = arith.constant 0 : i32
      %dma_wait3A_170 = tpu.memref_slice %arg7[%mul3A_164, %dma_wait3A_169] : memref<16384x64xf32, #tpu.memory_space<hbm>> -> memref<512x64xf32, #tpu.memory_space<hbm>>
      %dma_wait3A_171 = arith.constant 0 : i32
      %dma_wait3A_172 = tpu.memref_slice %arg7[%mul3A_164, %dma_wait3A_171] : memref<16384x64xf32, #tpu.memory_space<hbm>> -> memref<512x64xf32, #tpu.memory_space<hbm>>
      tpu.wait_dma2 semaphore(%run_scoped3A : memref<!tpu.dma_semaphore, #tpu.memory_space<semaphore_mem>>) src(%arg11 : memref<512x64xf32, #tpu.memory_space<vmem>>) dst(%dma_wait3A_172 : memref<512x64xf32, #tpu.memory_space<hbm>>)
      tpu.yield
    }) : () -> ()
    return
  }
}

module attributes {stable_mosaic.version = 14 : i64} {
  func.func @_dense_body(%arg0: i32, %arg1: memref<512x64xf32, #tpu.memory_space<vmem>>, %arg2: memref<512x64xf32, #tpu.memory_space<vmem>>, %arg3: memref<512x8x64xf32, #tpu.memory_space<vmem>>, %arg4: memref<8x64xf32, #tpu.memory_space<vmem>>, %arg5: memref<512x8x64xf32, #tpu.memory_space<vmem>>, %arg6: memref<512xf32, #tpu.memory_space<vmem>>) attributes {dimension_semantics = [#tpu.dimension_semantics<arbitrary>], iteration_bounds = array<i64: 32>, scalar_prefetch = 0 : i64, scratch_operands = 0 : i64, tpu.core_type = #tpu.core_type<tc>, window_params = [{transform_indices = @transform_0, window_bounds = array<i64: 512, 64>}, {transform_indices = @transform_1, window_bounds = array<i64: 512, 64>}, {transform_indices = @transform_2, window_bounds = array<i64: 512, 8, 64>}, {pipeline_mode = #tpu.pipeline_mode<synchronous>, transform_indices = @transform_3, window_bounds = array<i64: 8, 64>}, {transform_indices = @transform_4, window_bounds = array<i64: 512, 8, 64>}, {transform_indices = @transform_5, window_bounds = array<i64: 512>}]} {
    %get3A = arith.constant 0 : index
    %get3A_0 = arith.constant 0 : index
    %get3A_1 = vector.load %arg1[%get3A, %get3A_0] : memref<512x64xf32, #tpu.memory_space<vmem>>, vector<512x64xf32>
    %get3A_2 = arith.constant 0 : index
    %get3A_3 = arith.constant 0 : index
    %get3A_4 = vector.load %arg2[%get3A_2, %get3A_3] : memref<512x64xf32, #tpu.memory_space<vmem>>, vector<512x64xf32>
    %get3A_5 = arith.constant 0 : index
    %get3A_6 = arith.constant 0 : index
    %get3A_7 = vector.load %arg4[%get3A_5, %get3A_6] : memref<8x64xf32, #tpu.memory_space<vmem>>, vector<8x64xf32>
    %mul3A = arith.constant 5.000000e-01 : f32
    %mul3A_8 = vector.broadcast %mul3A : f32 to vector<8x64xf32>
    %mul3A_9 = arith.mulf %mul3A_8, %get3A_7 : vector<8x64xf32>
    %exp3A = math.exp %mul3A_9 : vector<8x64xf32>
    %dot_general3A = arith.constant dense<0.000000e+00> : vector<512x8xf32>
    %dot_general3A_10 = tpu.matmul %get3A_1, %exp3A, %dot_general3A {dimension_numbers = #tpu.dot_dimension_numbers<[1], [1], [0], [0], [0, 0, 1, 0], [], []>, transpose_lhs_hint = false} : vector<512x64xf32>, vector<8x64xf32>, vector<512x8xf32> -> vector<512x8xf32>
    %reduce_max3A = arith.constant dense<0xFF800000> : vector<512xf32>
    %reduce_max3A_11 = vector.multi_reduction <maximumf>, %dot_general3A_10, %reduce_max3A [1] : vector<512x8xf32> to vector<512xf32>
    %broadcast_in_dim3A = vector.shape_cast %reduce_max3A_11 : vector<512xf32> to vector<512x1xf32>
    %sub3A = vector.broadcast %broadcast_in_dim3A : vector<512x1xf32> to vector<512x8xf32>
    %sub3A_12 = arith.subf %dot_general3A_10, %sub3A : vector<512x8xf32>
    %exp3A_13 = math.exp %sub3A_12 : vector<512x8xf32>
    %reduce_sum3A = arith.constant dense<0.000000e+00> : vector<512xf32>
    %reduce_sum3A_14 = vector.multi_reduction <add>, %exp3A_13, %reduce_sum3A [1] : vector<512x8xf32> to vector<512xf32>
    %broadcast_in_dim3A_15 = vector.shape_cast %reduce_sum3A_14 : vector<512xf32> to vector<512x1xf32>
    %div3A = vector.broadcast %broadcast_in_dim3A_15 : vector<512x1xf32> to vector<512x8xf32>
    %div3A_16 = arith.divf %exp3A_13, %div3A : vector<512x8xf32>
    %broadcast_in_dim3A_17 = vector.shape_cast %div3A_16 : vector<512x8xf32> to vector<512x8x1xf32>
    %broadcast_in_dim3A_18 = vector.shape_cast %get3A_7 : vector<8x64xf32> to vector<1x8x64xf32>
    %mul3A_19 = vector.broadcast %broadcast_in_dim3A_17 : vector<512x8x1xf32> to vector<512x8x64xf32>
    %mul3A_20 = vector.broadcast %broadcast_in_dim3A_18 : vector<1x8x64xf32> to vector<512x8x64xf32>
    %mul3A_21 = arith.mulf %mul3A_19, %mul3A_20 : vector<512x8x64xf32>
    %swap3A = arith.constant 0 : index
    %swap3A_22 = arith.constant 0 : index
    %swap3A_23 = arith.constant 0 : index
    %swap3A_24 = vector.load %arg5[%swap3A, %swap3A_22, %swap3A_23] : memref<512x8x64xf32, #tpu.memory_space<vmem>>, vector<512x8x64xf32>
    tpu.vector_store %arg5[%swap3A, %swap3A_22, %swap3A_23], %mul3A_21 {strides = array<i32>} : memref<512x8x64xf32, #tpu.memory_space<vmem>>, vector<512x8x64xf32>,
    %broadcast_in_dim3A_25 = vector.shape_cast %get3A_1 : vector<512x64xf32> to vector<512x1x64xf32>
    %get3A_26 = arith.constant 0 : index
    %get3A_27 = arith.constant 0 : index
    %get3A_28 = arith.constant 0 : index
    %get3A_29 = vector.load %arg3[%get3A_26, %get3A_27, %get3A_28] : memref<512x8x64xf32, #tpu.memory_space<vmem>>, vector<512x8x64xf32>
    %mul3A_30 = arith.constant 5.000000e-01 : f32
    %mul3A_31 = vector.broadcast %mul3A_30 : f32 to vector<512x8x64xf32>
    %mul3A_32 = arith.mulf %mul3A_31, %mul3A_21 : vector<512x8x64xf32>
    %exp3A_33 = math.exp %mul3A_32 : vector<512x8x64xf32>
    %mul3A_34 = arith.mulf %get3A_29, %exp3A_33 : vector<512x8x64xf32>
    %add3A = vector.broadcast %broadcast_in_dim3A_25 : vector<512x1x64xf32> to vector<512x8x64xf32>
    %add3A_35 = arith.addf %add3A, %mul3A_34 : vector<512x8x64xf32>
    %broadcast_in_dim3A_36 = vector.shape_cast %get3A_4 : vector<512x64xf32> to vector<512x1x64xf32>
    %mul3A_37 = vector.broadcast %broadcast_in_dim3A_36 : vector<512x1x64xf32> to vector<512x8x64xf32>
    %mul3A_38 = arith.mulf %add3A_35, %mul3A_37 : vector<512x8x64xf32>
    %reduce_sum3A_39 = arith.constant dense<0.000000e+00> : vector<512x8xf32>
    %reduce_sum3A_40 = vector.multi_reduction <add>, %mul3A_38, %reduce_sum3A_39 [2] : vector<512x8x64xf32> to vector<512x8xf32>
    %logistic3A = arith.negf %reduce_sum3A_40 : vector<512x8xf32>
    %logistic3A_41 = math.exp %logistic3A : vector<512x8xf32>
    %logistic3A_42 = arith.constant 1.000000e+00 : f32
    %logistic3A_43 = vector.broadcast %logistic3A_42 : f32 to vector<512x8xf32>
    %logistic3A_44 = arith.addf %logistic3A_43, %logistic3A_41 : vector<512x8xf32>
    %logistic3A_45 = arith.divf %logistic3A_43, %logistic3A_44 : vector<512x8xf32>
    %sub3A_46 = arith.constant 1.000000e+00 : f32
    %sub3A_47 = vector.broadcast %sub3A_46 : f32 to vector<512x8xf32>
    %sub3A_48 = arith.subf %sub3A_47, %logistic3A_45 : vector<512x8xf32>
    %add3A_49 = arith.constant 9.99999974E-5 : f32
    %add3A_50 = vector.broadcast %add3A_49 : f32 to vector<512x8xf32>
    %add3A_51 = arith.addf %sub3A_48, %add3A_50 : vector<512x8xf32>
    %log3A = math.log %add3A_51 : vector<512x8xf32>
    %reduce_sum3A_52 = arith.constant dense<0.000000e+00> : vector<512xf32>
    %reduce_sum3A_53 = vector.multi_reduction <add>, %log3A, %reduce_sum3A_52 [1] : vector<512x8xf32> to vector<512xf32>
    %exp3A_54 = math.exp %reduce_sum3A_53 : vector<512xf32>
    %sub3A_55 = arith.constant 1.000000e+00 : f32
    %sub3A_56 = vector.broadcast %sub3A_55 : f32 to vector<512xf32>
    %sub3A_57 = arith.subf %sub3A_56, %exp3A_54 : vector<512xf32>
    %swap3A_58 = arith.constant 0 : index
    %swap3A_59 = vector.load %arg6[%swap3A_58] : memref<512xf32, #tpu.memory_space<vmem>>, vector<512xf32>
    tpu.vector_store %arg6[%swap3A_58], %sub3A_57 {strides = array<i32>} : memref<512xf32, #tpu.memory_space<vmem>>, vector<512xf32>,
    return
  }
  func.func @transform_0(%arg0: i32) -> (i32, i32) {
    %c0_i32 = arith.constant 0 : i32
    %c0_i32_0 = arith.constant 0 : i32
    return %arg0, %c0_i32 : i32, i32
  }
  func.func @transform_1(%arg0: i32) -> (i32, i32) {
    %c0_i32 = arith.constant 0 : i32
    %c0_i32_0 = arith.constant 0 : i32
    return %arg0, %c0_i32 : i32, i32
  }
  func.func @transform_2(%arg0: i32) -> (i32, i32, i32) {
    %c0_i32 = arith.constant 0 : i32
    %c0_i32_0 = arith.constant 0 : i32
    %c0_i32_1 = arith.constant 0 : i32
    return %arg0, %c0_i32, %c0_i32_0 : i32, i32, i32
  }
  func.func @transform_3(%arg0: i32) -> (i32, i32) {
    %c0_i32 = arith.constant 0 : i32
    %c0_i32_0 = arith.constant 0 : i32
    %c0_i32_1 = arith.constant 0 : i32
    return %c0_i32, %c0_i32_0 : i32, i32
  }
  func.func @transform_4(%arg0: i32) -> (i32, i32, i32) {
    %c0_i32 = arith.constant 0 : i32
    %c0_i32_0 = arith.constant 0 : i32
    %c0_i32_1 = arith.constant 0 : i32
    return %arg0, %c0_i32, %c0_i32_0 : i32, i32, i32
  }
  func.func @transform_5(%arg0: i32) -> i32 {
    %c0_i32 = arith.constant 0 : i32
    return %arg0 : i32
  }
}

</mosaic_0001>

<sc_bundles>
// kernel: kernel.4.cloned.1.call-start
scs
__scs_entry_jumppad:
0x0: {  	(pc) =	sbr.rel $0x88, $3  }
0x1: {  	(tag) =	ssettag $0x0;
	lr =	simm.s32 $0x1  }
0x2: {  	[smem:$0x3F9C] =	sst lr;
	_ =	strace $0xD0000000  }
0x3: {  	_ = 	snop  }
0x4: {  	_ = 	snop  }
0x5: {  	_ = 	snop  }
0x6: {  	_ = 	snop  }
0x7: {  	_ = 	snop  }
__scs_overlays_trampoline_lowered:
0x8: {  	[smem:$0x3FAB] =	sst s0  }
0x9: {  	[smem:$0x3FAC] =	sst s1  }
0xa: {  	[smem:$0x3FAD] =	sst s2  }
0xb: {  	[smem:$0x3FAE] =	sst s3  }
0xc: {  	[smem:$0x3FAF] =	sst s4  }
0xd: {  	[smem:$0x3FB0] =	sst s5  }
0xe: {  	[smem:$0x3FB1] =	sst s6  }
0xf: {  	[smem:$0x3FB2] =	sst s7  }
0x10: {  	[smem:$0x3FB3] =	sst s8  }
0x11: {  	[smem:$0x3FB4] =	sst s9;
	s0 =	simm.s32 @!p0 $0x0  }
0x12: {  	s1 =	sld [smem:$0x3F9A];
	s0 =	simm.s32 @p0 $0x1  }
0x13: {  	[smem:$0x3FB5] =	sst s0;
	s0 =	simm.s32 @!p1 $0x0  }
0x14: {  	s2 =	sld [smem:$0x3F99];
	s0 =	simm.s32 @p1 $0x1  }
0x15: {  	[smem:$0x3FB6] =	sst s0;
	s0 =	simm.s32 @!p2 $0x0  }
0x16: {  	s3 =	sld [smem:$0x3FDB];
	s0 =	simm.s32 @p2 $0x1  }
0x17: {  	s4 =	simm.s32 $0x1BF5;
	[smem:$0x3FB8] =	sst s0  }
0x18: {  	s0 =	sld [smem:$0x3F9B];
	_ =	swait.ge [sflag:s4], $0x0  }
0x19: {  	s7 =	sld [smem:$0x3F9C]  }
0x1a: {  	s8 =	sadd.s32 $0xFFFFE003, lr  }
0x1b: {  	s9 =	sadd.s32 $0xFFFFFEF7, lr;
	s5 =	simm.s32 $0xFFFFFFFF;
	p2 =	slt.u32 s8, $0xFFFFF086  }
0x1c: {  	p1 =	slt.u32 s9, $0xF7A;
	s5 =	simm.s32 @!p2 $0x0  }
0x1d: {  	s5 =	simm.s32 @p1 $0x1;
	p0 =	seq.s32 s7, s2  }
0x1e: {  	s7 =	smul.u32 @!p0 $0xF7A, s2;
	p2 =	seq.s32 @!p0 s5, $0x0  }
0x1f: {  	s9 =	smul.u32 $0xF7A, s1;
	s8 =	simm.s32 @!p0 $0x1BF5;
	p2 =	por !p2, p0  }
0x20: {  	[sflag:s8] =	ssyncset.s32 @!p0 $0xFFFFF086;
	s6 =	sadd.s32 @!p0 s3, s7;
	s7 =	simm.s32 @!p0 $0x108  }
0x21: {  	s3 =	sadd.s32 s3, s9;
	s6 =	sadd.s32 @!p0 $0x88, s6;
	s7 =	simm.s32 @p2 $0x1082  }
0x22: {  	[simem:s7], [sflag:s8] =	dma.local @!p0 [hbm:s6], $0xF7A  }
0x23: {  	s9 =	sor.u32 $0xD0000000, s2;
	s6 =	simm.s32 $0x108;
	_ =	swait.ge @!p0 [sflag:s8], $0x0  }
0x24: {  	s3 =	sadd.s32 $0x88, s3;
	s6 =	simm.s32 @!p1 $0x1082;
	[sflag:s4] =	ssyncset.s32 $0xFFFFF086  }
0x25: {  	[simem:s6], [sflag:s4] =	dma.local [hbm:s3], $0xF7A  }
0x26: {  	[smem:$0x3F9C] =	sst s1;
	(tag) =	ssettag s2;
	_ =	strace s9  }
0x27: {  	s1 =	sld [smem:$0x3FAC]  }
0x28: {  	s2 =	sld [smem:$0x3FAD]  }
0x29: {  	s4 =	sld [smem:$0x3FAF]  }
0x2a: {  	p0 =	seq.s32 s5, $0x0;
	s5 =	sld [smem:$0x3FB0]  }
0x2b: {  	s6 =	sld [smem:$0x3FB1]  }
0x2c: {  	s7 =	sld [smem:$0x3FB2]  }
0x2d: {  	s3 =	simm.s32 $0x108;
	s8 =	sld [smem:$0x3FB3]  }
0x2e: {  	s3 =	simm.s32 @!p0 $0x1082;
	s9 =	sld [smem:$0x3FB4]  }
0x2f: {  	lr =	sadd.s32 s0, s3;
	s0 =	sld [smem:$0x3FAB]  }
0x30: {  	s3 =	sld [smem:$0x3FAE]  }
0x31: {  	[smem:$0x3FB7] =	sst s10  }
0x32: {  	s10 =	sld [smem:$0x3FB5];
	_ =	sdelay $0x3  }
0x33: {  	p0 =	seq.s32 s10, $0x1;
	s10 =	sld [smem:$0x3FB7];
	_ =	sdelay $0x3  }
0x34: {  	[smem:$0x3FB7] =	sst s10  }
0x35: {  	s10 =	sld [smem:$0x3FB6];
	_ =	sdelay $0x3  }
0x36: {  	p1 =	seq.s32 s10, $0x1;
	s10 =	sld [smem:$0x3FB7];
	_ =	sdelay $0x3  }
0x37: {  	[smem:$0x3FB7] =	sst s10  }
0x38: {  	s10 =	sld [smem:$0x3FB8]  }
0x39: {  	_ = 	snop;
	(pc) =	sbr.ind lr, $3  }
0x3a: {  	_ = 	snop  }
0x3b: {  	_ = 	snop  }
0x3c: {  	p2 =	seq.s32 s10, $0x1;
	s10 =	sld [smem:$0x3FB7]  }
0x3d: {  	_ =	shalt  }
0x3e: {  	_ =	shalt  }
0x3f: {  	_ =	shalt  }
0x40: {  	_ =	shalt  }
0x41: {  	_ =	shalt  }
0x42: {  	_ =	shalt  }
0x43: {  	_ =	shalt  }
0x44: {  	_ =	shalt  }
0x45: {  	_ =	shalt  }
0x46: {  	_ =	shalt  }
0x47: {  	_ =	shalt  }
0x48: {  	_ =	shalt  }
0x49: {  	_ =	shalt  }
0x4a: {  	_ =	shalt  }
0x4b: {  	_ =	shalt  }
0x4c: {  	_ =	shalt  }
0x4d: {  	_ =	shalt  }
0x4e: {  	_ =	shalt  }
0x4f: {  	_ =	shalt  }
0x50: {  	_ =	shalt  }
0x51: {  	_ =	shalt  }
0x52: {  	_ =	shalt  }
0x53: {  	_ =	shalt  }
0x54: {  	_ =	shalt  }
0x55: {  	_ =	shalt  }
0x56: {  	_ =	shalt  }
0x57: {  	_ =	shalt  }
0x58: {  	_ =	shalt  }
0x59: {  	_ =	shalt  }
0x5a: {  	_ =	shalt  }
0x5b: {  	_ =	shalt  }
0x5c: {  	_ =	shalt  }
0x5d: {  	_ =	shalt  }
0x5e: {  	_ =	shalt  }
0x5f: {  	_ =	shalt  }
0x60: {  	_ =	shalt  }
0x61: {  	_ =	shalt  }
0x62: {  	_ =	shalt  }
0x63: {  	_ =	shalt  }
0x64: {  	_ =	shalt  }
0x65: {  	_ =	shalt  }
0x66: {  	_ =	shalt  }
0x67: {  	_ =	shalt  }
0x68: {  	_ =	shalt  }
0x69: {  	_ =	shalt  }
0x6a: {  	_ =	shalt  }
0x6b: {  	_ =	shalt  }
0x6c: {  	_ =	shalt  }
0x6d: {  	_ =	shalt  }
0x6e: {  	_ =	shalt  }
0x6f: {  	_ =	shalt  }
0x70: {  	_ =	shalt  }
0x71: {  	_ =	shalt  }
0x72: {  	_ =	shalt  }
0x73: {  	_ =	shalt  }
0x74: {  	_ =	shalt  }
0x75: {  	_ =	shalt  }
0x76: {  	_ =	shalt  }
0x77: {  	_ =	shalt  }
0x78: {  	_ =	shalt  }
0x79: {  	_ =	shalt  }
0x7a: {  	_ =	shalt  }
0x7b: {  	_ =	shalt  }
0x7c: {  	_ =	shalt  }
0x7d: {  	_ =	shalt  }
0x7e: {  	_ =	shalt  }
0x7f: {  	_ =	shalt  }
0x80: {  	_ =	shalt  }
0x81: {  	_ =	shalt  }
0x82: {  	_ =	shalt  }
0x83: {  	_ =	shalt  }
0x84: {  	_ =	shalt  }
0x85: {  	_ =	shalt  }
0x86: {  	_ =	shalt  }
0x87: {  	_ =	shalt  }
.Lfunc_end0:
.L_simem_size_0:
called_computation_lowered:
.L_overlay_start_0:
0x88: {  	s2 =	sld [smem:$0x3FD9]  }
0x89: {  	s3 =	sld [smem:$0x3FFE];
	_ =	sdelay $0x1  }
0x8a: {  	s1 =	srdreg.scid  }
0x8b: {  	s0 =	sand.u32 $0x1, s1  }
0x8c: {  	s14 =	sshll.u32 s0, $0xA;
	s2 =	sadd.s32 s3, s2  }
0x8d: {  	s2 =	sadd.s32 s2, s14  }
0x8e: {  	[smem:$0x3FC3] =	sst s2  }
0x8f: {  	_ = 	snop  }
0x90: {  	s2 =	sld [smem:$0x3FD0];
	_ =	sdelay $0x1  }
0x91: {  	s15 =	sld [smem:$0x3FC9]  }
0x92: {  	s5 =	simm.s32 $0xA;
	s6 =	simm.s32 $0x10;
	s4 =	sld [smem:$0x3FC8]  }
0x93: {  	[smem:s6], [sflag:s5] =	dma.local [hbm:s2], $0x1  }
0x94: {  	_ =	swait.eq [sflag:s5], $0x1  }
0x95: {  	[sflag:s5] =	ssyncset.done $0x0  }
0x96: {  	s16 =	sld [smem:$0x11];
	[sflag:s5] =	ssyncadd.s32 $0xFFFFFFFF  }
0x97: {  	s17 =	sld [smem:$0x12];
	(tm) =	ssettm $0x1  }
0x98: {  	s18 =	sld [smem:$0x3FFB];
	_ =	sdelay $0x3  }
0x99: {  	_ =	strace s18  }
0x9a: {  	s6 =	sld [smem:$0x3FFC];
	_ =	sdelay $0x3  }
0x9b: {  	_ =	strace s6  }
0x9c: {  	s6 =	sld [smem:$0x3FFD];
	_ =	sdelay $0x3  }
0x9d: {  	_ =	strace s6  }
0x9e: {  	_ =	strace $0x8FFFFFFF  }
0x9f: {  	s19 =	sld [smem:$0x3FDB];
	_ =	sdelay $0x1  }
0xa0: {  	s7 =	simm.s32 $_scs_section_size  }
0xa1: {  	s8 =	simm.s32 $_size__tile_overlayer_lowered;
	s9 =	simm.s32 $_tile_overlayer_lowered  }
0xa2: {  	s22 =	simm.s32 $0x1BFF;
	s21 =	sshll.u32 s9, $0x1;
	s6 =	sadd.s32 s7, s19  }
0xa3: {  	s10 =	simm.s32 $0x0;
	s20 =	sshll.u32 s8, $0x1;
	s8 =	sadd.s32 s21, s6  }
0xa4: {  	[timem:s10], [sflag:s22] =	dma.local [hbm:s8], s20  }
0xa5: {  	_ =	swait.ge [sflag:s22], s20  }
0xa6: {  	s7 =	ssub.s32 $0x0, s20;
	[sflag:s22] =	ssyncset.done $0x0  }
0xa7: {  	[sflag:s22] =	ssyncadd.s32 s7;
	_ =	sdelay $0x1  }
0xa8: {  	s23 =	simm.s32 $0x1B8B  }
0xa9: {  	_ =	swait.ge [sflag:s23], $0x1  }
0xaa: {  	[sflag:s23] =	ssyncset.done $0x0  }
0xab: {  	s25 =	simm.s32 $0x1B8E;
	s24 =	sld [smem:$0x3FFE];
	[sflag:s23] =	ssyncadd.s32 $0xFFFFFFFF  }
0xac: {  	s26 =	simm.s32 $execute0_lowered;
	[smem:$0x3FD2] =	sst s25  }
0xad: {  	s8 =	sshll.u32 s26, $0x1;
	_ =	strace $0x80000046;
	[dreg:$0x1] =	wrdreg $0xFFFFFFFF  }
0xae: {  	s28 =	simm.s32 $_size_execute0_lowered;
	s6 =	sadd.s32 s6, s8;
	[dreg:$0x0] =	wrdreg $0x0  }
0xaf: {  	s8 =	sshll.u32 s28, $0x1;
	[dreg:$0x2] =	wrdreg s6  }
0xb0: {  	[dreg:$0x3] =	wrdreg s8  }
0xb1: {  	[dreg:$0x4] =	wrdreg $0xC0  }
0xb2: {  	_ =	task [dreg:s10], $0x5FFFF  }
0xb3: {  	[dreg:$0x1] =	wrdreg $0xFFFFFFFF  }
0xb4: {  	[dreg:$0x0] =	wrdreg $0x60  }
0xb5: {  	[dreg:$0x2] =	wrdreg s15  }
0xb6: {  	[dreg:$0x3] =	wrdreg s4  }
0xb7: {  	[dreg:$0x4] =	wrdreg s24  }
0xb8: {  	[dreg:$0x5] =	wrdreg s16  }
0xb9: {  	[dreg:$0x6] =	wrdreg s17  }
0xba: {  	[dreg:$0x7] =	wrdreg $0x9  }
0xbb: {  	_ =	task.clear_ibuf [dreg:s10], $0x8FFFF;
	_ =	strace $0x90000046  }
0xbc: {  	s29 =	simm.s32 $0x9;
	_ =	strace $0x80000048  }
0xbd: {  	_ =	swait.ge [sflag:s29], $0x1  }
0xbe: {  	[sflag:s29] =	ssyncadd.s32 $0xFFFFFFFF  }
0xbf: {  	_ =	strace $0x90000048  }
0xc0: {  	_ =	sfence  }
0xc1: {  	s30 =	sld [smem:$0x0];
	_ =	sdelay $0x2  }
0xc2: {  	s31 =	sshll.u32 s1, $0xD;
	s1 =	sshrl.u32 s1, $0x2  }
0xc3: {  	s3 =	sand.u32 $0x4000, s31;
	s1 =	sadd.s32 s1, s30  }
0xc4: {  	s0 =	sor.u32 s3, s0;
	s1 =	sshll.u32 s1, $0x11  }
0xc5: {  	s0 =	sor.u32 s1, s0  }
0xc6: {  	s0 =	sadd.s32 $0x8F2B, s0  }
0xc7: {  	[sflag:s0] =	ssyncadd.remote.s32 $0x1  }
0xc8: {  	_ =	sfence.sel $0xFFFF  }
0xc9: {  	[dreg:$0x0] =	wrdreg $0xFFFFFFFF;
	(pc) =	sbr.abs _section_cstart, $3  }
0xca: {  	[dreg:$0x1] =	wrdreg $0xFFFFFFFF  }
0xcb: {  	_ =	task.clear_ibuf [dreg:s10], $0x2FFFF;
	_ =	strace $0x9FFFFFFF  }
0xcc: {  	(tm) =	ssettm $0x7FFFFFFF  }
0xcd: {  	_ =	shalt  }
tec
execute0_lowered:
.L_overlay_start_1:
0x0: {  	(tag) =	ssettag $0x1  }
0x1: {  	s3 =	rddreg [dreg:$0x0]  }
0x2: {  	s5 =	rddreg [dreg:$0x1]  }
0x3: {  	s10 =	rddreg [dreg:$0x2]  }
0x4: {  	s25 =	rddreg [dreg:$0x3]  }
0x5: {  	s1 =	srdreg.scid;
	s0 =	stileid.u32  }
0x6: {  	s26 =	rddreg [dreg:$0x4];
	s28 =	sand.u32 $0x1, s1;
	s4 =	sshll.u32 s0, $0x1  }
0x7: {  	s2 =	simm.s32 $0x0;
	s1 =	rddreg [dreg:$0x5];
	s29 =	sor.u32 s28, s4  }
0x8: {  	[smem:$0x7FF] =	sst s2;
	s6 =	sshll.u32 s29, $0x6  }
0x9: {  	_ =	strace $0x80000047;
	s4 =	sadd.s32 s3, s6;
	s3 =	simm.s32 $0x3  }
0xa: {  	[tilespmem:s2], [sflag:$0x3] =	stream.linear.gather [hbm4b:s4+s2], $0x200, $0x38;
	[tilespmem:$0x10400] =	vst v63  }
0xb: {  	_ =	swait.ge [sflag:s3], $0x200  }
0xc: {  	[sflag:s3] =	ssyncset.done $0x0  }
0xd: {  	s5 =	sadd.s32 s5, s6;
	s6 =	simm.s32 $0x200;
	[sflag:s3] =	ssyncadd.s32 $0xFFFFFE00  }
0xe: {  	[tilespmem:s6], [sflag:$0x3] =	stream.linear.gather [hbm4b:s5+s2], $0x200, $0x38;
	[tilespmem:$0x10400] =	vst v63  }
0xf: {  	_ =	swait.ge [sflag:s3], $0x200  }
0x10: {  	s8 =	simm.s32 $0x80;
	[sflag:s3] =	ssyncset.done $0x0  }
0x11: {  	s9 =	simm.s32 $0x400;
	s7 =	sadd.s32 $0xF43400, s10;
	[sflag:s3] =	ssyncadd.s32 $0xFFFFFE00  }
0x12: {  	[tilespmem:s9], [sflag:$0x1] =	stream.indirect.gather [hbm4b:s7+s8], $0x40, s2, s8, $0xb8;
	[tilespmem:$0x10400] =	vst v63  }
0x13: {  	s11 =	simm.s32 $0x8400;
	s10 =	sadd.s32 $0x16E4600, s10  }
0x14: {  	[tilespmem:s11], [sflag:$0x2] =	stream.indirect.gather [hbm4b:s10+s8], $0x40, s6, s8, $0xb8;
	[tilespmem:$0x10400] =	vst v63  }
0x15: {  	s12 =	simm.s32 $0x2400  }
0x16: {  	[tilespmem:s12], [sflag:$0x1] =	stream.indirect.gather [hbm4b:s7+s8], $0x40, s8, s8, $0xb8;
	[tilespmem:$0x10400] =	vst v63  }
0x17: {  	s13 =	simm.s32 $0x280;
	s14 =	simm.s32 $0xA400  }
0x18: {  	[tilespmem:s14], [sflag:$0x2] =	stream.indirect.gather [hbm4b:s10+s8], $0x40, s13, s8, $0xb8;
	[tilespmem:$0x10400] =	vst v63  }
0x19: {  	s15 =	simm.s32 $0x100;
	s16 =	simm.s32 $0x4400  }
0x1a: {  	[tilespmem:s16], [sflag:$0x1] =	stream.indirect.gather [hbm4b:s7+s8], $0x40, s15, s8, $0xb8;
	[tilespmem:$0x10400] =	vst v63  }
0x1b: {  	s17 =	simm.s32 $0x300;
	s18 =	simm.s32 $0xC400  }
0x1c: {  	[tilespmem:s18], [sflag:$0x2] =	stream.indirect.gather [hbm4b:s10+s8], $0x40, s17, s8, $0xb8;
	[tilespmem:$0x10400] =	vst v63  }
0x1d: {  	s19 =	simm.s32 $0x180;
	s20 =	simm.s32 $0x6400  }
0x1e: {  	[tilespmem:s20], [sflag:$0x1] =	stream.indirect.gather [hbm4b:s7+s8], $0x40, s19, s8, $0xb8;
	[tilespmem:$0x10400] =	vst v63  }
0x1f: {  	s21 =	simm.s32 $0x380;
	s22 =	simm.s32 $0xE400;
	s23 =	simm.s32 $0x1  }
0x20: {  	[tilespmem:s22], [sflag:$0x2] =	stream.indirect.gather [hbm4b:s10+s8], $0x40, s21, s8, $0xb8;
	[tilespmem:$0x10400] =	vst v63  }
0x21: {  	_ =	swait.ge [sflag:s23], $0x2000  }
0x22: {  	[sflag:s23] =	ssyncset.done $0x0  }
0x23: {  	s24 =	simm.s32 $0x2;
	[sflag:s23] =	ssyncadd.s32 $0xFFFFE000  }
0x24: {  	_ =	swait.ge [sflag:s24], $0x2000  }
0x25: {  	[sflag:s24] =	ssyncset.done $0x0  }
0x26: {  	[sflag:s24] =	ssyncadd.s32 $0xFFFFE000  }
0x27: {  	_ =	swait.ge [sflag:s23], $0x2000  }
0x28: {  	[sflag:s23] =	ssyncset.done $0x0  }
0x29: {  	[sflag:s23] =	ssyncadd.s32 $0xFFFFE000  }
0x2a: {  	_ =	swait.ge [sflag:s24], $0x2000  }
0x2b: {  	[sflag:s24] =	ssyncset.done $0x0  }
0x2c: {  	[sflag:s24] =	ssyncadd.s32 $0xFFFFE000  }
0x2d: {  	_ =	swait.ge [sflag:s23], $0x2000  }
0x2e: {  	[sflag:s23] =	ssyncset.done $0x0  }
0x2f: {  	[sflag:s23] =	ssyncadd.s32 $0xFFFFE000  }
0x30: {  	_ =	swait.ge [sflag:s24], $0x2000  }
0x31: {  	[sflag:s24] =	ssyncset.done $0x0  }
0x32: {  	[sflag:s24] =	ssyncadd.s32 $0xFFFFE000  }
0x33: {  	_ =	swait.ge [sflag:s23], $0x2000  }
0x34: {  	[sflag:s23] =	ssyncset.done $0x0  }
0x35: {  	s28 =	ssub.s32 $0x2, s28;
	[sflag:s23] =	ssyncadd.s32 $0xFFFFE000  }
0x36: {  	s30 =	sshrl.u32 s28, $0x1;
	_ =	swait.ge [sflag:s24], $0x2000  }
0x37: {  	s29 =	sshll.u32 s29, $0xC;
	s28 =	ssub.s32 s28, s30;
	[sflag:s24] =	ssyncset.done $0x0  }
0x38: {  	s25 =	sadd.s32 s25, s29;
	s28 =	smax.u32 s28, $0x1;
	[sflag:s24] =	ssyncadd.s32 $0xFFFFE000  }
0x39: {  	[hbm4b:s25+s2] =	stream.linear.scatter [tilespmem:s9], [sflag:$0x3], $0x8000, $0x38;
	[tilespmem:$0x10400] =	vst v63  }
0x3a: {  	p0 =	sne.s32 s28, $0x1;
	_ =	swait.ge [sflag:s3], $0x8000  }
.Ltmp0:
0x3b: {  	[sflag:s3] =	ssyncset.done $0x0;
	(pc) =	sbr.rel @!p0 .LBB2_2-.Ltmp0, $4  }
0x3c: {  	s26 =	sadd.s32 s26, s29;
	[sflag:s3] =	ssyncadd.s32 $0xFFFF8000  }
0x3d: {  	[hbm4b:s26+s2] =	stream.linear.scatter [tilespmem:s11], [sflag:$0x3], $0x8000, $0x38;
	[tilespmem:$0x10400] =	vst v63  }
0x3e: {  	_ =	swait.ge [sflag:s3], $0x8000  }
0x3f: {  	s28 =	sadd.s32 $0xFFFFFFFF, s28;
	[sflag:s3] =	ssyncset.done $0x0  }
.LBB2_1:
0x40: {  	p0 =	sne.s32 s28, $0x1;
	s28 =	sadd.s32 $0xFFFFFFFF, s28;
	[sflag:s3] =	ssyncadd.s32 $0xFFFF8000  }
0x41: {  	[tilespmem:s2], [sflag:$0x3] =	stream.linear.gather [hbm4b:s4+s2], $0x200, $0x38;
	[tilespmem:$0x10400] =	vst v63  }
0x42: {  	_ =	swait.ge [sflag:s3], $0x200  }
0x43: {  	[sflag:s3] =	ssyncset.done $0x0  }
0x44: {  	[sflag:s3] =	ssyncadd.s32 $0xFFFFFE00  }
0x45: {  	[tilespmem:s6], [sflag:$0x3] =	stream.linear.gather [hbm4b:s5+s2], $0x200, $0x38;
	[tilespmem:$0x10400] =	vst v63  }
0x46: {  	_ =	swait.ge [sflag:s3], $0x200  }
0x47: {  	[sflag:s3] =	ssyncset.done $0x0  }
0x48: {  	[sflag:s3] =	ssyncadd.s32 $0xFFFFFE00  }
0x49: {  	[tilespmem:s9], [sflag:$0x1] =	stream.indirect.gather [hbm4b:s7+s8], $0x40, s2, s8, $0xb8;
	[tilespmem:$0x10400] =	vst v63  }
0x4a: {  	_ = 	snop  }
0x4b: {  	[tilespmem:s11], [sflag:$0x2] =	stream.indirect.gather [hbm4b:s10+s8], $0x40, s6, s8, $0xb8;
	[tilespmem:$0x10400] =	vst v63  }
0x4c: {  	_ = 	snop  }
0x4d: {  	[tilespmem:s12], [sflag:$0x1] =	stream.indirect.gather [hbm4b:s7+s8], $0x40, s8, s8, $0xb8;
	[tilespmem:$0x10400] =	vst v63  }
0x4e: {  	_ = 	snop  }
0x4f: {  	[tilespmem:s14], [sflag:$0x2] =	stream.indirect.gather [hbm4b:s10+s8], $0x40, s13, s8, $0xb8;
	[tilespmem:$0x10400] =	vst v63  }
0x50: {  	_ = 	snop  }
0x51: {  	[tilespmem:s16], [sflag:$0x1] =	stream.indirect.gather [hbm4b:s7+s8], $0x40, s15, s8, $0xb8;
	[tilespmem:$0x10400] =	vst v63  }
0x52: {  	_ = 	snop  }
0x53: {  	[tilespmem:s18], [sflag:$0x2] =	stream.indirect.gather [hbm4b:s10+s8], $0x40, s17, s8, $0xb8;
	[tilespmem:$0x10400] =	vst v63  }
0x54: {  	_ = 	snop  }
0x55: {  	[tilespmem:s20], [sflag:$0x1] =	stream.indirect.gather [hbm4b:s7+s8], $0x40, s19, s8, $0xb8;
	[tilespmem:$0x10400] =	vst v63  }
0x56: {  	_ = 	snop  }
0x57: {  	[tilespmem:s22], [sflag:$0x2] =	stream.indirect.gather [hbm4b:s10+s8], $0x40, s21, s8, $0xb8;
	[tilespmem:$0x10400] =	vst v63  }
0x58: {  	_ =	swait.ge [sflag:s23], $0x2000  }
0x59: {  	[sflag:s23] =	ssyncset.done $0x0  }
0x5a: {  	[sflag:s23] =	ssyncadd.s32 $0xFFFFE000  }
0x5b: {  	_ =	swait.ge [sflag:s24], $0x2000  }
0x5c: {  	[sflag:s24] =	ssyncset.done $0x0  }
0x5d: {  	[sflag:s24] =	ssyncadd.s32 $0xFFFFE000  }
0x5e: {  	_ =	swait.ge [sflag:s23], $0x2000  }
0x5f: {  	[sflag:s23] =	ssyncset.done $0x0  }
0x60: {  	[sflag:s23] =	ssyncadd.s32 $0xFFFFE000  }
0x61: {  	_ =	swait.ge [sflag:s24], $0x2000  }
0x62: {  	[sflag:s24] =	ssyncset.done $0x0  }
0x63: {  	[sflag:s24] =	ssyncadd.s32 $0xFFFFE000  }
0x64: {  	_ =	swait.ge [sflag:s23], $0x2000  }
0x65: {  	[sflag:s23] =	ssyncset.done $0x0  }
0x66: {  	[sflag:s23] =	ssyncadd.s32 $0xFFFFE000  }
0x67: {  	_ =	swait.ge [sflag:s24], $0x2000  }
0x68: {  	[sflag:s24] =	ssyncset.done $0x0  }
0x69: {  	[sflag:s24] =	ssyncadd.s32 $0xFFFFE000  }
0x6a: {  	_ =	swait.ge [sflag:s23], $0x2000  }
0x6b: {  	[sflag:s23] =	ssyncset.done $0x0  }
0x6c: {  	[sflag:s23] =	ssyncadd.s32 $0xFFFFE000  }
0x6d: {  	_ =	swait.ge [sflag:s24], $0x2000  }
0x6e: {  	[sflag:s24] =	ssyncset.done $0x0  }
0x6f: {  	[sflag:s24] =	ssyncadd.s32 $0xFFFFE000  }
0x70: {  	[hbm4b:s25+s2] =	stream.linear.scatter [tilespmem:s9], [sflag:$0x3], $0x8000, $0x38;
	[tilespmem:$0x10400] =	vst v63  }
0x71: {  	_ =	swait.ge [sflag:s3], $0x8000  }
.Ltmp1:
0x72: {  	[sflag:s3] =	ssyncset.done $0x0;
	(pc) =	sbr.rel @p0 .LBB2_1-.Ltmp1, $4  }
0x73: {  	[sflag:s3] =	ssyncadd.s32 $0xFFFF8000  }
0x74: {  	[hbm4b:s26+s2] =	stream.linear.scatter [tilespmem:s11], [sflag:$0x3], $0x8000, $0x38;
	[tilespmem:$0x10400] =	vst v63  }
0x75: {  	_ =	swait.ge [sflag:s3], $0x8000  }
0x76: {  	[sflag:s3] =	ssyncset.done $0x0  }
.LBB2_2:
0x77: {  	[sflag:s3] =	ssyncadd.s32 $0xFFFF8000  }
0x78: {  	_ =	sfence.sel $0x180000  }
0x79: {  	[bflag:$0x0] =	sbarrier.arrive $0xFFFF  }
0x7a: {  	p0 =	sne.s32 s0, $0x0;
	_ =	strace $0x90000047  }
0x7b: {  	s0 =	sadd.s32 @!p0 $0x100000, s1;
	[bflag:$0x2] =	sbarrier.arrive $0xFFFF  }
0x7c: {  	[sflag:s0] =	ssyncadd.tile.s32 @!p0 $0x1;
	_ =	shalt  }
.Lfunc_end2:
_tile_overlayer_lowered:
.L_overlay_start_2:
0x7d: {  	(tag) =	ssettag $0x2  }
0x7e: {  	s0 =	rddreg [dreg:$0x0];
	s2 =	stileid.u32  }
0x7f: {  	s1 =	rddreg [dreg:$0x1];
	p0 =	sne.s32 s2, $0x0  }
0x80: {  	s3 =	rddreg [dreg:$0x2];
	[bflag:$0x3] =	sbarrier.arrive $0xFFFF;
	s2 =	simm.s32 @!p0 $0x1C03  }
0x81: {  	[timem:s3], [sflag:s2] =	dma.local @!p0 [hbm:s0], s1  }
0x82: {  	s0 =	simm.s32 @!p0 $0x3  }
0x83: {  	_ =	swait.ge @!p0 [sflag:s0], s1  }
0x84: {  	s1 =	ssub.s32 @!p0 $0x0, s1;
	[sflag:s0] =	ssyncset.done @!p0 $0x0  }
0x85: {  	[sflag:s0] =	ssyncadd.s32 @!p0 s1  }
0x86: {  	[bflag:$0x3] =	sbarrier.arrive $0xFFFF  }
0x87: {  	_ =	shalt  }

</sc_bundles>
